<compile_context>
chip_gen: v7x
topology: tpu7x:2x2x1
jax: 0.10.2.dev20260603
libtpu: 0.0.44.dev20260713+nightly
codegen_flags: <defaults>
</compile_context>

<pallas_src>
import functools

import jax
import jax.numpy as jnp
from jax import lax
from jax.experimental import pallas as pl
from jax.experimental.pallas import tpu as pltpu
from jax.experimental.pallas import tpu_sc as plsc

_NC = 2
_NS = 16
_CHUNK = 128


def _mesh():
    return plsc.VectorSubcoreMesh(
        core_axis_name="c", subcore_axis_name="s",
        num_cores=_NC, num_subcores=_NS)



@functools.partial(jax.jit, static_argnames=("n_acc", "cpt"))
def _degree(dst_p, *, n_acc, cpt):
    rpt = n_acc // _NS

    def body(dst_hbm, out_hbm, dstv, onesv, zv, acc):
        c = lax.axis_index("c")
        s = lax.axis_index("s")
        pltpu.sync_copy(dst_hbm.at[c, s], dstv)
        zeros = jnp.zeros((16,), jnp.float32)
        ones = jnp.ones((16,), jnp.float32)

        @pl.loop(0, _CHUNK // 16)
        def _(g):
            onesv[pl.ds(g * 16, 16)] = ones

        @pl.loop(0, rpt // 16)
        def _(g):
            zv[pl.ds(g * 16, 16)] = zeros

        pltpu.sync_copy(zv, acc.at[pl.ds(s * rpt, rpt)])
        plsc.subcore_barrier()

        @pl.loop(0, cpt)
        def _(j):
            pltpu.sync_copy(onesv, acc.at[dstv.at[j]], add=True)

        plsc.subcore_barrier()
        pltpu.sync_copy(acc.at[pl.ds(s * rpt, rpt)],
                        out_hbm.at[pl.ds(c * n_acc + s * rpt, rpt)])

    return pl.kernel(
        body,
        out_type=jax.ShapeDtypeStruct((_NC * n_acc,), jnp.float32),
        mesh=_mesh(),
        scratch_types=[
            pltpu.VMEM((cpt, _CHUNK), jnp.int32),
            pltpu.VMEM((_CHUNK,), jnp.float32),
            pltpu.VMEM((rpt,), jnp.float32),
            pltpu.VMEM_SHARED((n_acc,), jnp.float32),
        ],
    )(dst_p)


_IB = 40


@functools.partial(jax.jit, static_argnames=("n_acc", "cpt", "d"))
def _aggregate(src_p, dst_p, ht, zeros, *, n_acc, cpt, d):
    rpt = n_acc // _NS
    nblk = cpt // _IB

    def body(src_hbm, dst_hbm, ht_hbm, zeros_hbm, out_hbm,
             srcv, dstv, buf0, buf1, acc, gsem0, gsem1):
        c = lax.axis_index("c")
        s = lax.axis_index("s")
        pltpu.sync_copy(zeros_hbm.at[pl.ds(s * rpt, rpt)],
                        acc.at[pl.ds(s * rpt, rpt)])
        plsc.subcore_barrier()

        @pl.loop(0, nblk)
        def _(bi):
            base = bi * _IB
            pltpu.sync_copy(src_hbm.at[c, s, pl.ds(base, _IB)], srcv)
            pltpu.sync_copy(dst_hbm.at[c, s, pl.ds(base, _IB)], dstv)

            pltpu.async_copy(ht_hbm.at[srcv.at[0]], buf0, gsem0)
            pltpu.async_copy(ht_hbm.at[srcv.at[1]], buf1, gsem1)

            @pl.loop(0, _IB // 2 - 1)
            def _(i):
                j0 = 2 * i
                pltpu.make_async_copy(
                    ht_hbm.at[srcv.at[j0]], buf0, gsem0).wait()
                pltpu.sync_copy(buf0, acc.at[dstv.at[j0]], add=True)
                pltpu.async_copy(ht_hbm.at[srcv.at[j0 + 2]], buf0, gsem0)
                j1 = j0 + 1
                pltpu.make_async_copy(
                    ht_hbm.at[srcv.at[j1]], buf1, gsem1).wait()
                pltpu.sync_copy(buf1, acc.at[dstv.at[j1]], add=True)
                pltpu.async_copy(ht_hbm.at[srcv.at[j1 + 2]], buf1, gsem1)

            pltpu.make_async_copy(
                ht_hbm.at[srcv.at[_IB - 2]], buf0, gsem0).wait()
            pltpu.sync_copy(buf0, acc.at[dstv.at[_IB - 2]], add=True)
            pltpu.make_async_copy(
                ht_hbm.at[srcv.at[_IB - 1]], buf1, gsem1).wait()
            pltpu.sync_copy(buf1, acc.at[dstv.at[_IB - 1]], add=True)

        plsc.subcore_barrier()
        pltpu.sync_copy(acc.at[pl.ds(s * rpt, rpt)],
                        out_hbm.at[c, pl.ds(s * rpt, rpt)])

    return pl.kernel(
        body,
        out_type=jax.ShapeDtypeStruct((_NC, n_acc, d), jnp.float32),
        mesh=_mesh(),
        scratch_types=[
            pltpu.VMEM((_IB, _CHUNK), jnp.int32),
            pltpu.VMEM((_IB, _CHUNK), jnp.int32),
            pltpu.VMEM((_CHUNK, d), jnp.float32),
            pltpu.VMEM((_CHUNK, d), jnp.float32),
            pltpu.VMEM_SHARED((n_acc, d), jnp.float32),
            pltpu.SemaphoreType.DMA,
            pltpu.SemaphoreType.DMA,
        ],
    )(src_p, dst_p, ht, zeros)



def _dis_of(d0_ref, d1_ref):
    return lax.rsqrt(d0_ref[...] + d1_ref[...] + 1.0)


def _first_body(x_ref, w_ref, d0_ref, d1_ref, out_ref):
    dis = _dis_of(d0_ref, d1_ref)
    out_ref[...] = dis * jnp.dot(x_ref[...], w_ref[...],
                                 preferred_element_type=jnp.float32)


def _mid_body(agg_ref, ht_ref, d0_ref, d1_ref, b_ref, w_ref, out_ref):
    dis = _dis_of(d0_ref, d1_ref)
    z = dis * (agg_ref[0] + agg_ref[1] + ht_ref[...]) + b_ref[...]
    g = jnp.maximum(z, 0.0)
    out_ref[...] = dis * jnp.dot(g, w_ref[...],
                                 preferred_element_type=jnp.float32)


def _pool_body(agg_ref, ht_ref, d0_ref, d1_ref, batch_ref, b3_ref, wl_ref,
               bl_ref, out_ref, sums_ref, cnt_ref, *, n_groups):
    i = pl.program_id(0)
    dis = _dis_of(d0_ref, d1_ref)
    out3 = dis * (agg_ref[0] + agg_ref[1] + ht_ref[...])
    b = batch_ref[...][:, 0]
    rows = lax.broadcasted_iota(jnp.int32, (n_groups, out3.shape[0]), 0)
    onehot = (rows == b[None, :]).astype(jnp.float32)
    part = jnp.dot(onehot, out3, preferred_element_type=jnp.float32)
    cnt_part = jnp.sum(onehot, axis=1, keepdims=True)

    @pl.when(i == 0)
    def _():
        sums_ref[...] = jnp.zeros_like(sums_ref)
        cnt_ref[...] = jnp.zeros_like(cnt_ref)

    sums_ref[...] += part
    cnt_ref[...] += cnt_part

    @pl.when(i == pl.num_programs(0) - 1)
    def _():
        pooled = sums_ref[...] / jnp.maximum(cnt_ref[...], 1.0) + b3_ref[...]
        out_ref[...] = (
            jnp.dot(pooled, wl_ref[...], preferred_element_type=jnp.float32)
            + bl_ref[...])



def kernel(x, edge_index, batch, W1, b1, W2, b2, W3, b3, Wlin, blin):
    n, d_in = x.shape
    e = edge_index.shape[1]
    h = W1.shape[1]
    g = 64
    out_dim = Wlin.shape[1]
    d3 = 16

    cpt = 2 * (-(-e // (_NC * _NS * _CHUNK * 2)))
    e_pad = _NC * _NS * cpt * _CHUNK
    n_acc = -(-(n + 1) // 256) * 256

    pad_i = jnp.arange(e_pad - e, dtype=edge_index.dtype)
    src_p = jnp.concatenate(
        [edge_index[0], pad_i % n]).reshape(_NC, _NS, cpt, _CHUNK)
    dst_p = jnp.concatenate(
        [edge_index[1], n + pad_i % (n_acc - n)]
    ).reshape(_NC, _NS, cpt, _CHUNK)

    zerosH = jnp.zeros((n_acc, h), jnp.float32)
    wlin_p = jnp.pad(Wlin, ((0, 0), (0, d3 - out_dim)))
    blin_p = jnp.pad(blin, (0, d3 - out_dim)).reshape(1, d3)

    deg_flat = _degree(dst_p, n_acc=n_acc, cpt=cpt)
    deg0 = deg_flat[:n].reshape(n, 1)
    deg1 = deg_flat[n_acc:n_acc + n].reshape(n, 1)

    blk = 2000
    grid = (n // blk,)
    row_spec = lambda d: pl.BlockSpec((blk, d), lambda i: (i, 0))
    agg_spec = lambda d: pl.BlockSpec((_NC, blk, d), lambda i: (0, i, 0))
    full = lambda *s: pl.BlockSpec(s, lambda i: tuple(0 for _ in s))
    dspec = pl.BlockSpec((blk, 1), lambda i: (i, 0))

    ht1 = pl.pallas_call(
        _first_body, grid=grid,
        in_specs=[row_spec(d_in), full(d_in, h), dspec, dspec],
        out_specs=row_spec(h),
        out_shape=jax.ShapeDtypeStruct((n, h), jnp.float32),
    )(x, W1, deg0, deg1)

    agg1 = _aggregate(src_p, dst_p, ht1, zerosH, n_acc=n_acc, cpt=cpt, d=h)

    ht2 = pl.pallas_call(
        _mid_body, grid=grid,
        in_specs=[agg_spec(h), row_spec(h), dspec, dspec,
                  full(1, h), full(h, h)],
        out_specs=row_spec(h),
        out_shape=jax.ShapeDtypeStruct((n, h), jnp.float32),
    )(agg1, ht1, deg0, deg1, b1.reshape(1, h), W2)

    agg2 = _aggregate(src_p, dst_p, ht2, zerosH, n_acc=n_acc, cpt=cpt, d=h)

    ht3 = pl.pallas_call(
        _mid_body, grid=grid,
        in_specs=[agg_spec(h), row_spec(h), dspec, dspec,
                  full(1, h), full(h, h)],
        out_specs=row_spec(h),
        out_shape=jax.ShapeDtypeStruct((n, h), jnp.float32),
    )(agg2, ht2, deg0, deg1, b2.reshape(1, h), W3)

    agg3 = _aggregate(src_p, dst_p, ht3, zerosH, n_acc=n_acc, cpt=cpt, d=h)

    pooled = pl.pallas_call(
        functools.partial(_pool_body, n_groups=g), grid=grid,
        in_specs=[agg_spec(h), row_spec(h), dspec, dspec,
                  pl.BlockSpec((blk, 1), lambda i: (i, 0)),
                  full(1, h), full(h, d3), full(1, d3)],
        out_specs=full(g, d3),
        out_shape=jax.ShapeDtypeStruct((g, d3), jnp.float32),
        scratch_shapes=[pltpu.VMEM((g, h), jnp.float32),
                        pltpu.VMEM((g, 1), jnp.float32)],
    )(agg3, ht3, deg0, deg1, batch.reshape(n, 1),
      b3.reshape(1, h), wlin_p, blin_p)

    return pooled[:, :out_dim]

# --- scband reference (transcript-rebuilt; emitter-appended) ---
"""Pipeline reference for scband-gcn-79766132621935 (READ-ONLY COPY).

The authoritative reference and input builder live on the scoring server;
editing this copy changes nothing except your own understanding.
"""

import jax, jax.numpy as jnp
import numpy as np

N = 10000
E = 320000
D_IN = 128
H = 128
G = 64
OUT = 5


def _glorot(key, fan_in, fan_out):
    s = 1.0 / np.sqrt(fan_in)
    return jax.random.uniform(key, (fan_in, fan_out), jnp.float32, -s, s)


def setup_inputs(seed: int = 0) -> dict:
    key = jax.random.key(seed)
    ks = jax.random.split(key, 12)
    x = jax.random.normal(ks[0], (N, D_IN), jnp.float32)
    edge_index = jax.random.randint(ks[1], (2, E), 0, N, dtype=jnp.int32)
    batch = jnp.sort(jax.random.randint(ks[2], (N,), 0, G, dtype=jnp.int32))
    W1 = _glorot(ks[3], D_IN, H)
    b1 = jnp.zeros((H,), jnp.float32)
    W2 = _glorot(ks[4], H, H)
    b2 = jnp.zeros((H,), jnp.float32)
    W3 = _glorot(ks[5], H, H)
    b3 = jnp.zeros((H,), jnp.float32)
    Wlin = _glorot(ks[6], H, OUT)
    blin = jnp.zeros((OUT,), jnp.float32)
    return {"x": x, "edge_index": edge_index, "batch": batch,
            "W1": W1, "b1": b1, "W2": W2, "b2": b2,
            "W3": W3, "b3": b3, "Wlin": Wlin, "blin": blin}


def _gcn_conv(x, edge_index, W, b):
    # x' = D^{-1/2} (A + I) D^{-1/2} (x W) + b  (PyG GCNConv with self-loops)
    h = x @ W
    n = h.shape[0]
    loop = jnp.arange(n, dtype=edge_index.dtype)
    src = jnp.concatenate([edge_index[0], loop])
    dst = jnpp_concat = jnp.concatenate([edge_index[1], loop])
    deg = jnp.zeros((n,), h.dtype).at[dst].add(1.0)
    dis = jnp.where(deg > 0, jax.lax.rsqrt(deg), 0.0)
    norm = dis[src] * dis[dst]
    msg = h[src] * norm[:, None]
    out = jnp.zeros_like(h).at[dst].add(msg)
    return out + b


def reference(x, edge_index, batch, W1, b1, W2, b2, W3, b3, Wlin, blin):
    h = jax.nn.relu(_gcn_conv(x, edge_index, W1, b1))
    h = jax.nn.relu(_gcn_conv(h, edge_index, W2, b2))
    h = _gcn_conv(h, edge_index, W3, b3)
    # global_mean_pool over batch assignment
    sums = jax.ops.segment_sum(h, batch, num_segments=G)
    counts = jax.ops.segment_sum(jnp.ones((h.shape[0],), h.dtype), batch, num_segments=G)
    pooled = sums / jnp.clip(counts, 1.0)[:, None]
    # dropout is identity in eval mode
    return pooled @ Wlin + blin

if __name__ == "__main__":
    import jax
    _d = setup_inputs()
    print(jax.jit(kernel)(*tuple(_d.values())))

</pallas_src>

<mosaic_0001>
#map = affine_map<(d0, d1) -> (0, 0, 0, 0)>
#map1 = affine_map<(d0, d1) -> (0)>
module attributes {stable_mosaic.version = 14 : i64} {
  func.func @body(%arg0: i32, %arg1: i32, %arg2: memref<2x16x80x128xi32, #tpu.memory_space<hbm>>, %arg3: memref<20480xf32, #tpu.memory_space<hbm>>, %arg4: memref<80x128xi32, #tpu.memory_space<vmem>>, %arg5: memref<128xf32, #tpu.memory_space<vmem>>, %arg6: memref<640xf32, #tpu.memory_space<vmem>>, %arg7: memref<10240xf32, #tpu.memory_space<vmem_shared>>) attributes {dimension_semantics = [#tpu.dimension_semantics<core_parallel>, #tpu.dimension_semantics<subcore_parallel>], iteration_bounds = array<i64: 2, 16>, scalar_prefetch = 0 : i64, scratch_operands = 4 : i64, tpu.core_type = #tpu.core_type<sc_vector_subcore>, window_params = [{transform_indices = #map}, {transform_indices = #map1}]} {
    "tpu.region"() ({
      %run_scoped3A = tpu.sem_alloc : memref<!tpu.dma_semaphore, #tpu.memory_space<semaphore_mem>>
      %dma_start3A = arith.constant 0 : i32
      %dma_start3A_25 = arith.constant 0 : i32
      %dma_start3A_26 = tpu.memref_slice %arg2[%arg0, %arg1, %dma_start3A, %dma_start3A_25] : memref<2x16x80x128xi32, #tpu.memory_space<hbm>> -> memref<1x1x80x128xi32, #tpu.memory_space<hbm>>
      %dma_start3A_27 = tpu.memref_squeeze %dma_start3A_26 : memref<1x1x80x128xi32, #tpu.memory_space<hbm>> -> memref<80x128xi32, #tpu.memory_space<hbm>>
      %dma_start3A_28 = arith.constant 0 : i32
      %dma_start3A_29 = arith.constant 0 : i32
      %dma_start3A_30 = tpu.memref_slice %arg2[%arg0, %arg1, %dma_start3A_28, %dma_start3A_29] : memref<2x16x80x128xi32, #tpu.memory_space<hbm>> -> memref<1x1x80x128xi32, #tpu.memory_space<hbm>>
      %dma_start3A_31 = tpu.memref_squeeze %dma_start3A_30 : memref<1x1x80x128xi32, #tpu.memory_space<hbm>> -> memref<80x128xi32, #tpu.memory_space<hbm>>
      tpu.enqueue_dma source(%dma_start3A_31 : memref<80x128xi32, #tpu.memory_space<hbm>>) target(%arg4 : memref<80x128xi32, #tpu.memory_space<vmem>>) target_semaphore(%run_scoped3A : memref<!tpu.dma_semaphore, #tpu.memory_space<semaphore_mem>>)
      %dma_wait3A = arith.constant 0 : i32
      %dma_wait3A_32 = arith.constant 0 : i32
      %dma_wait3A_33 = tpu.memref_slice %arg2[%arg0, %arg1, %dma_wait3A, %dma_wait3A_32] : memref<2x16x80x128xi32, #tpu.memory_space<hbm>> -> memref<1x1x80x128xi32, #tpu.memory_space<hbm>>
      %dma_wait3A_34 = tpu.memref_squeeze %dma_wait3A_33 : memref<1x1x80x128xi32, #tpu.memory_space<hbm>> -> memref<80x128xi32, #tpu.memory_space<hbm>>
      %dma_wait3A_35 = arith.constant 0 : i32
      %dma_wait3A_36 = arith.constant 0 : i32
      %dma_wait3A_37 = tpu.memref_slice %arg2[%arg0, %arg1, %dma_wait3A_35, %dma_wait3A_36] : memref<2x16x80x128xi32, #tpu.memory_space<hbm>> -> memref<1x1x80x128xi32, #tpu.memory_space<hbm>>
      %dma_wait3A_38 = tpu.memref_squeeze %dma_wait3A_37 : memref<1x1x80x128xi32, #tpu.memory_space<hbm>> -> memref<80x128xi32, #tpu.memory_space<hbm>>
      tpu.wait_dma2 semaphore(%run_scoped3A : memref<!tpu.dma_semaphore, #tpu.memory_space<semaphore_mem>>) src(%dma_wait3A_38 : memref<80x128xi32, #tpu.memory_space<hbm>>) dst(%arg4 : memref<80x128xi32, #tpu.memory_space<vmem>>)
      tpu.yield
    }) : () -> ()
    %broadcast_in_dim3A = arith.constant 0.000000e+00 : f32
    %broadcast_in_dim3A_0 = vector.broadcast %broadcast_in_dim3A : f32 to vector<16xf32>
    %broadcast_in_dim3A_1 = arith.constant 1.000000e+00 : f32
    %broadcast_in_dim3A_2 = vector.broadcast %broadcast_in_dim3A_1 : f32 to vector<16xf32>
    %scan3A = arith.constant 0 : i32
    %scan3A_3 = arith.constant 8 : i32
    %scan3A_4 = arith.addi %scan3A, %scan3A_3 : i32
    %scan3A_5 = arith.constant 1 : i32
    scf.for %scan3A_25 = %scan3A to %scan3A_4 step %scan3A_5  : i32 {
      %mul3A_26 = arith.constant 1 : i32
      %mul3A_27 = arith.muli %scan3A_25, %mul3A_26 : i32
      %add3A_28 = arith.constant 0 : i32
      %add3A_29 = arith.addi %add3A_28, %mul3A_27 : i32
      %mul3A_30 = arith.constant 16 : i32
      %mul3A_31 = arith.muli %add3A_29, %mul3A_30 : i32
      %swap3A = arith.index_cast %mul3A_31 : i32 to index
      %swap3A_32 = tpu.vector_load %arg5[%swap3A] {strides = array<i32>} : memref<128xf32, #tpu.memory_space<vmem>>, vector<16xf32>,
      %swap3A_33 = vector.shape_cast %swap3A_32 : vector<16xf32> to vector<16xf32>
      %swap3A_34 = vector.shape_cast %broadcast_in_dim3A_2 : vector<16xf32> to vector<16xf32>
      tpu.vector_store %arg5[%swap3A], %swap3A_34 {strides = array<i32>} : memref<128xf32, #tpu.memory_space<vmem>>, vector<16xf32>,
    }
    %scan3A_6 = arith.constant 8 : i32
    %scan3A_7 = arith.constant 0 : i32
    %scan3A_8 = arith.constant 40 : i32
    %scan3A_9 = arith.addi %scan3A_7, %scan3A_8 : i32
    %scan3A_10 = arith.constant 1 : i32
    scf.for %scan3A_25 = %scan3A_7 to %scan3A_9 step %scan3A_10  : i32 {
      %mul3A_26 = arith.constant 1 : i32
      %mul3A_27 = arith.muli %scan3A_25, %mul3A_26 : i32
      %add3A_28 = arith.constant 0 : i32
      %add3A_29 = arith.addi %add3A_28, %mul3A_27 : i32
      %mul3A_30 = arith.constant 16 : i32
      %mul3A_31 = arith.muli %add3A_29, %mul3A_30 : i32
      %swap3A = arith.index_cast %mul3A_31 : i32 to index
      %swap3A_32 = tpu.vector_load %arg6[%swap3A] {strides = array<i32>} : memref<640xf32, #tpu.memory_space<vmem>>, vector<16xf32>,
      %swap3A_33 = vector.shape_cast %swap3A_32 : vector<16xf32> to vector<16xf32>
      %swap3A_34 = vector.shape_cast %broadcast_in_dim3A_0 : vector<16xf32> to vector<16xf32>
      tpu.vector_store %arg6[%swap3A], %swap3A_34 {strides = array<i32>} : memref<640xf32, #tpu.memory_space<vmem>>, vector<16xf32>,
    }
    %scan3A_11 = arith.constant 40 : i32
    %mul3A = arith.constant 640 : i32
    %mul3A_12 = arith.muli %arg1, %mul3A : i32
    "tpu.region"() ({
      %run_scoped3A = tpu.sem_alloc : memref<!tpu.dma_semaphore, #tpu.memory_space<semaphore_mem>>
      %dma_start3A = tpu.memref_slice %arg7[%mul3A_12] : memref<10240xf32, #tpu.memory_space<vmem_shared>> -> memref<640xf32, #tpu.memory_space<vmem_shared>>
      %dma_start3A_25 = tpu.memref_slice %arg7[%mul3A_12] : memref<10240xf32, #tpu.memory_space<vmem_shared>> -> memref<640xf32, #tpu.memory_space<vmem_shared>>
      tpu.enqueue_dma source(%arg6 : memref<640xf32, #tpu.memory_space<vmem>>) target(%dma_start3A_25 : memref<640xf32, #tpu.memory_space<vmem_shared>>) target_semaphore(%run_scoped3A : memref<!tpu.dma_semaphore, #tpu.memory_space<semaphore_mem>>)
      %dma_wait3A = tpu.memref_slice %arg7[%mul3A_12] : memref<10240xf32, #tpu.memory_space<vmem_shared>> -> memref<640xf32, #tpu.memory_space<vmem_shared>>
      %dma_wait3A_26 = tpu.memref_slice %arg7[%mul3A_12] : memref<10240xf32, #tpu.memory_space<vmem_shared>> -> memref<640xf32, #tpu.memory_space<vmem_shared>>
      tpu.wait_dma2 semaphore(%run_scoped3A : memref<!tpu.dma_semaphore, #tpu.memory_space<semaphore_mem>>) src(%arg6 : memref<640xf32, #tpu.memory_space<vmem>>) dst(%dma_wait3A_26 : memref<640xf32, #tpu.memory_space<vmem_shared>>)
      tpu.yield
    }) : () -> ()
    %barrier3A = arith.constant 0 : index
    tpu.barrier barrier_id(%barrier3A)
    %scan3A_13 = arith.constant 0 : i32
    %scan3A_14 = arith.constant 80 : i32
    %scan3A_15 = arith.addi %scan3A_13, %scan3A_14 : i32
    %scan3A_16 = arith.constant 1 : i32
    scf.for %scan3A_25 = %scan3A_13 to %scan3A_15 step %scan3A_16  : i32 {
      %mul3A_26 = arith.constant 1 : i32
      %mul3A_27 = arith.muli %scan3A_25, %mul3A_26 : i32
      %add3A_28 = arith.constant 0 : i32
      %add3A_29 = arith.addi %add3A_28, %mul3A_27 : i32
      "tpu.region"() ({
        %run_scoped3A = tpu.sem_alloc : memref<!tpu.dma_semaphore, #tpu.memory_space<semaphore_mem>>
        %dma_start3A = arith.constant 0 : i32
        %dma_start3A_30 = tpu.memref_slice %arg4[%add3A_29, %dma_start3A] : memref<80x128xi32, #tpu.memory_space<vmem>> -> memref<1x128xi32, #tpu.memory_space<vmem>>
        %dma_start3A_31 = tpu.memref_squeeze %dma_start3A_30 : memref<1x128xi32, #tpu.memory_space<vmem>> -> memref<128xi32, #tpu.memory_space<vmem>>
        %dma_start3A_32 = arith.constant 0 : i32
        %dma_start3A_33 = tpu.memref_slice %arg7[%dma_start3A_32] : memref<10240xf32, #tpu.memory_space<vmem_shared>> -> memref<10240xf32, #tpu.memory_space<vmem_shared>>
        tpu.enqueue_indirect_dma source(%arg5 : memref<128xf32, #tpu.memory_space<vmem>>) target(%dma_start3A_33 : memref<10240xf32, #tpu.memory_space<vmem_shared>>) offsets(%dma_start3A_31 : memref<128xi32, #tpu.memory_space<vmem>>) semaphore(%run_scoped3A : memref<!tpu.dma_semaphore, #tpu.memory_space<semaphore_mem>>) {add = true}
        %dma_wait3A = arith.constant 0 : i32
        %dma_wait3A_34 = tpu.memref_slice %arg4[%add3A_29, %dma_wait3A] : memref<80x128xi32, #tpu.memory_space<vmem>> -> memref<1x128xi32, #tpu.memory_space<vmem>>
        %dma_wait3A_35 = tpu.memref_squeeze %dma_wait3A_34 : memref<1x128xi32, #tpu.memory_space<vmem>> -> memref<128xi32, #tpu.memory_space<vmem>>
        %dma_wait3A_36 = arith.constant 0 : i32
        %dma_wait3A_37 = tpu.memref_slice %arg7[%dma_wait3A_36] : memref<10240xf32, #tpu.memory_space<vmem_shared>> -> memref<10240xf32, #tpu.memory_space<vmem_shared>>
        tpu.wait_indirect_dma semaphore(%run_scoped3A : memref<!tpu.dma_semaphore, #tpu.memory_space<semaphore_mem>>) src(%arg5 : memref<128xf32, #tpu.memory_space<vmem>>) dst(%dma_wait3A_37 : memref<10240xf32, #tpu.memory_space<vmem_shared>>)
        tpu.yield
      }) : () -> ()
    }
    %scan3A_17 = arith.constant 80 : i32
    %barrier3A_18 = arith.constant 0 : index
    tpu.barrier barrier_id(%barrier3A_18)
    %mul3A_19 = arith.constant 640 : i32
    %mul3A_20 = arith.muli %arg1, %mul3A_19 : i32
    %mul3A_21 = arith.constant 10240 : i32
    %mul3A_22 = arith.muli %arg0, %mul3A_21 : i32
    %mul3A_23 = arith.constant 640 : i32
    %mul3A_24 = arith.muli %arg1, %mul3A_23 : i32
    %add3A = arith.addi %mul3A_22, %mul3A_24 : i32
    "tpu.region"() ({
      %run_scoped3A = tpu.sem_alloc : memref<!tpu.dma_semaphore, #tpu.memory_space<semaphore_mem>>
      %dma_start3A = tpu.memref_slice %arg3[%add3A] : memref<20480xf32, #tpu.memory_space<hbm>> -> memref<640xf32, #tpu.memory_space<hbm>>
      %dma_start3A_25 = tpu.memref_slice %arg7[%mul3A_20] : memref<10240xf32, #tpu.memory_space<vmem_shared>> -> memref<640xf32, #tpu.memory_space<vmem_shared>>
      tpu.enqueue_dma source(%dma_start3A_25 : memref<640xf32, #tpu.memory_space<vmem_shared>>) target(%dma_start3A : memref<640xf32, #tpu.memory_space<hbm>>) target_semaphore(%run_scoped3A : memref<!tpu.dma_semaphore, #tpu.memory_space<semaphore_mem>>)
      %dma_wait3A = tpu.memref_slice %arg3[%add3A] : memref<20480xf32, #tpu.memory_space<hbm>> -> memref<640xf32, #tpu.memory_space<hbm>>
      %dma_wait3A_26 = tpu.memref_slice %arg7[%mul3A_20] : memref<10240xf32, #tpu.memory_space<vmem_shared>> -> memref<640xf32, #tpu.memory_space<vmem_shared>>
      tpu.wait_dma2 semaphore(%run_scoped3A : memref<!tpu.dma_semaphore, #tpu.memory_space<semaphore_mem>>) src(%dma_wait3A_26 : memref<640xf32, #tpu.memory_space<vmem_shared>>) dst(%dma_wait3A : memref<640xf32, #tpu.memory_space<hbm>>)
      tpu.yield
    }) : () -> ()
    return
  }
}

</mosaic_0001>

<sc_bundles>
// kernel: _degree.3.cloned.1.call-start
scs
__scs_entry_jumppad:
0x0: {  	(pc) =	sbr.rel $0x88, $3  }
0x1: {  	(tag) =	ssettag $0x0;
	lr =	simm.s32 $0x1  }
0x2: {  	[smem:$0x3FA0] =	sst lr;
	_ =	strace $0xD0000000  }
0x3: {  	_ = 	snop  }
0x4: {  	_ = 	snop  }
0x5: {  	_ = 	snop  }
0x6: {  	_ = 	snop  }
0x7: {  	_ = 	snop  }
__scs_overlays_trampoline_lowered:
0x8: {  	[smem:$0x3FAF] =	sst s0  }
0x9: {  	[smem:$0x3FB0] =	sst s1  }
0xa: {  	[smem:$0x3FB1] =	sst s2  }
0xb: {  	[smem:$0x3FB2] =	sst s3  }
0xc: {  	[smem:$0x3FB3] =	sst s4  }
0xd: {  	[smem:$0x3FB4] =	sst s5  }
0xe: {  	[smem:$0x3FB5] =	sst s6  }
0xf: {  	[smem:$0x3FB6] =	sst s7  }
0x10: {  	[smem:$0x3FB7] =	sst s8  }
0x11: {  	[smem:$0x3FB8] =	sst s9;
	s0 =	simm.s32 @!p0 $0x0  }
0x12: {  	s1 =	sld [smem:$0x3F9E];
	s0 =	simm.s32 @p0 $0x1  }
0x13: {  	[smem:$0x3FB9] =	sst s0;
	s0 =	simm.s32 @!p1 $0x0  }
0x14: {  	s2 =	sld [smem:$0x3F9D];
	s0 =	simm.s32 @p1 $0x1  }
0x15: {  	[smem:$0x3FBA] =	sst s0;
	s0 =	simm.s32 @!p2 $0x0  }
0x16: {  	s3 =	sld [smem:$0x3FDB];
	s0 =	simm.s32 @p2 $0x1  }
0x17: {  	s4 =	simm.s32 $0x1BF5;
	[smem:$0x3FBC] =	sst s0  }
0x18: {  	s0 =	sld [smem:$0x3F9F];
	_ =	swait.ge [sflag:s4], $0x0  }
0x19: {  	s7 =	sld [smem:$0x3FA0]  }
0x1a: {  	s8 =	sadd.s32 $0xFFFFE003, lr  }
0x1b: {  	s9 =	sadd.s32 $0xFFFFFEF7, lr;
	s5 =	simm.s32 $0xFFFFFFFF;
	p2 =	slt.u32 s8, $0xFFFFF086  }
0x1c: {  	p1 =	slt.u32 s9, $0xF7A;
	s5 =	simm.s32 @!p2 $0x0  }
0x1d: {  	s5 =	simm.s32 @p1 $0x1;
	p0 =	seq.s32 s7, s2  }
0x1e: {  	s7 =	smul.u32 @!p0 $0xF7A, s2;
	p2 =	seq.s32 @!p0 s5, $0x0  }
0x1f: {  	s9 =	smul.u32 $0xF7A, s1;
	s8 =	simm.s32 @!p0 $0x1BF5;
	p2 =	por !p2, p0  }
0x20: {  	[sflag:s8] =	ssyncset.s32 @!p0 $0xFFFFF086;
	s6 =	sadd.s32 @!p0 s3, s7;
	s7 =	simm.s32 @!p0 $0x108  }
0x21: {  	s3 =	sadd.s32 s3, s9;
	s6 =	sadd.s32 @!p0 $0x88, s6;
	s7 =	simm.s32 @p2 $0x1082  }
0x22: {  	[simem:s7], [sflag:s8] =	dma.local @!p0 [hbm:s6], $0xF7A  }
0x23: {  	s9 =	sor.u32 $0xD0000000, s2;
	s6 =	simm.s32 $0x108;
	_ =	swait.ge @!p0 [sflag:s8], $0x0  }
0x24: {  	s3 =	sadd.s32 $0x88, s3;
	s6 =	simm.s32 @!p1 $0x1082;
	[sflag:s4] =	ssyncset.s32 $0xFFFFF086  }
0x25: {  	[simem:s6], [sflag:s4] =	dma.local [hbm:s3], $0xF7A  }
0x26: {  	[smem:$0x3FA0] =	sst s1;
	(tag) =	ssettag s2;
	_ =	strace s9  }
0x27: {  	s1 =	sld [smem:$0x3FB0]  }
0x28: {  	s2 =	sld [smem:$0x3FB1]  }
0x29: {  	s4 =	sld [smem:$0x3FB3]  }
0x2a: {  	p0 =	seq.s32 s5, $0x0;
	s5 =	sld [smem:$0x3FB4]  }
0x2b: {  	s6 =	sld [smem:$0x3FB5]  }
0x2c: {  	s7 =	sld [smem:$0x3FB6]  }
0x2d: {  	s3 =	simm.s32 $0x108;
	s8 =	sld [smem:$0x3FB7]  }
0x2e: {  	s3 =	simm.s32 @!p0 $0x1082;
	s9 =	sld [smem:$0x3FB8]  }
0x2f: {  	lr =	sadd.s32 s0, s3;
	s0 =	sld [smem:$0x3FAF]  }
0x30: {  	s3 =	sld [smem:$0x3FB2]  }
0x31: {  	[smem:$0x3FBB] =	sst s10  }
0x32: {  	s10 =	sld [smem:$0x3FB9];
	_ =	sdelay $0x3  }
0x33: {  	p0 =	seq.s32 s10, $0x1;
	s10 =	sld [smem:$0x3FBB];
	_ =	sdelay $0x3  }
0x34: {  	[smem:$0x3FBB] =	sst s10  }
0x35: {  	s10 =	sld [smem:$0x3FBA];
	_ =	sdelay $0x3  }
0x36: {  	p1 =	seq.s32 s10, $0x1;
	s10 =	sld [smem:$0x3FBB];
	_ =	sdelay $0x3  }
0x37: {  	[smem:$0x3FBB] =	sst s10  }
0x38: {  	s10 =	sld [smem:$0x3FBC]  }
0x39: {  	_ = 	snop;
	(pc) =	sbr.ind lr, $3  }
0x3a: {  	_ = 	snop  }
0x3b: {  	_ = 	snop  }
0x3c: {  	p2 =	seq.s32 s10, $0x1;
	s10 =	sld [smem:$0x3FBB]  }
0x3d: {  	_ =	shalt  }
0x3e: {  	_ =	shalt  }
0x3f: {  	_ =	shalt  }
0x40: {  	_ =	shalt  }
0x41: {  	_ =	shalt  }
0x42: {  	_ =	shalt  }
0x43: {  	_ =	shalt  }
0x44: {  	_ =	shalt  }
0x45: {  	_ =	shalt  }
0x46: {  	_ =	shalt  }
0x47: {  	_ =	shalt  }
0x48: {  	_ =	shalt  }
0x49: {  	_ =	shalt  }
0x4a: {  	_ =	shalt  }
0x4b: {  	_ =	shalt  }
0x4c: {  	_ =	shalt  }
0x4d: {  	_ =	shalt  }
0x4e: {  	_ =	shalt  }
0x4f: {  	_ =	shalt  }
0x50: {  	_ =	shalt  }
0x51: {  	_ =	shalt  }
0x52: {  	_ =	shalt  }
0x53: {  	_ =	shalt  }
0x54: {  	_ =	shalt  }
0x55: {  	_ =	shalt  }
0x56: {  	_ =	shalt  }
0x57: {  	_ =	shalt  }
0x58: {  	_ =	shalt  }
0x59: {  	_ =	shalt  }
0x5a: {  	_ =	shalt  }
0x5b: {  	_ =	shalt  }
0x5c: {  	_ =	shalt  }
0x5d: {  	_ =	shalt  }
0x5e: {  	_ =	shalt  }
0x5f: {  	_ =	shalt  }
0x60: {  	_ =	shalt  }
0x61: {  	_ =	shalt  }
0x62: {  	_ =	shalt  }
0x63: {  	_ =	shalt  }
0x64: {  	_ =	shalt  }
0x65: {  	_ =	shalt  }
0x66: {  	_ =	shalt  }
0x67: {  	_ =	shalt  }
0x68: {  	_ =	shalt  }
0x69: {  	_ =	shalt  }
0x6a: {  	_ =	shalt  }
0x6b: {  	_ =	shalt  }
0x6c: {  	_ =	shalt  }
0x6d: {  	_ =	shalt  }
0x6e: {  	_ =	shalt  }
0x6f: {  	_ =	shalt  }
0x70: {  	_ =	shalt  }
0x71: {  	_ =	shalt  }
0x72: {  	_ =	shalt  }
0x73: {  	_ =	shalt  }
0x74: {  	_ =	shalt  }
0x75: {  	_ =	shalt  }
0x76: {  	_ =	shalt  }
0x77: {  	_ =	shalt  }
0x78: {  	_ =	shalt  }
0x79: {  	_ =	shalt  }
0x7a: {  	_ =	shalt  }
0x7b: {  	_ =	shalt  }
0x7c: {  	_ =	shalt  }
0x7d: {  	_ =	shalt  }
0x7e: {  	_ =	shalt  }
0x7f: {  	_ =	shalt  }
0x80: {  	_ =	shalt  }
0x81: {  	_ =	shalt  }
0x82: {  	_ =	shalt  }
0x83: {  	_ =	shalt  }
0x84: {  	_ =	shalt  }
0x85: {  	_ =	shalt  }
0x86: {  	_ =	shalt  }
0x87: {  	_ =	shalt  }
.Lfunc_end0:
.L_simem_size_0:
called_computation_lowered:
.L_overlay_start_0:
0x88: {  	s2 =	sld [smem:$0x3FD9]  }
0x89: {  	s3 =	sld [smem:$0x3FFE];
	_ =	sdelay $0x1  }
0x8a: {  	s1 =	srdreg.scid  }
0x8b: {  	s0 =	sand.u32 $0x1, s1  }
0x8c: {  	s18 =	sshll.u32 s0, $0xA;
	s2 =	sadd.s32 s3, s2  }
0x8d: {  	s2 =	sadd.s32 s2, s18  }
0x8e: {  	[smem:$0x3FC7] =	sst s2  }
0x8f: {  	_ = 	snop  }
0x90: {  	s2 =	sld [smem:$0x3FC9]  }
0x91: {  	s19 =	sld [smem:$0x3FD0];
	(tm) =	ssettm $0x1  }
0x92: {  	s4 =	sld [smem:$0x3FFB];
	_ =	sdelay $0x3  }
0x93: {  	_ =	strace s4  }
0x94: {  	s4 =	sld [smem:$0x3FFC];
	_ =	sdelay $0x3  }
0x95: {  	_ =	strace s4  }
0x96: {  	s4 =	sld [smem:$0x3FFD];
	_ =	sdelay $0x3  }
0x97: {  	_ =	strace s4  }
0x98: {  	_ =	strace $0x8FFFFFFF  }
0x99: {  	s20 =	sld [smem:$0x3FDB];
	_ =	sdelay $0x1  }
0x9a: {  	s5 =	simm.s32 $_scs_section_size  }
0x9b: {  	s6 =	simm.s32 $_size__tile_overlayer_lowered;
	s7 =	simm.s32 $_tile_overlayer_lowered  }
0x9c: {  	s23 =	simm.s32 $0x1BFF;
	s22 =	sshll.u32 s7, $0x1;
	s4 =	sadd.s32 s5, s20  }
0x9d: {  	s8 =	simm.s32 $0x0;
	s21 =	sshll.u32 s6, $0x1;
	s6 =	sadd.s32 s22, s4  }
0x9e: {  	[timem:s8], [sflag:s23] =	dma.local [hbm:s6], s21  }
0x9f: {  	_ =	swait.ge [sflag:s23], s21  }
0xa0: {  	s5 =	ssub.s32 $0x0, s21;
	[sflag:s23] =	ssyncset.done $0x0  }
0xa1: {  	[sflag:s23] =	ssyncadd.s32 s5;
	_ =	sdelay $0x1  }
0xa2: {  	s24 =	simm.s32 $0x1B8B  }
0xa3: {  	_ =	swait.ge [sflag:s24], $0x1  }
0xa4: {  	[sflag:s24] =	ssyncset.done $0x0  }
0xa5: {  	s25 =	simm.s32 $0x1B8E;
	[sflag:s24] =	ssyncadd.s32 $0xFFFFFFFF  }
0xa6: {  	s26 =	simm.s32 $execute0_lowered;
	[smem:$0x3FD2] =	sst s25  }
0xa7: {  	s5 =	sshll.u32 s26, $0x1;
	_ =	strace $0x80000046;
	[dreg:$0x1] =	wrdreg $0xFFFFFFFF  }
0xa8: {  	s28 =	simm.s32 $_size_execute0_lowered;
	s4 =	sadd.s32 s4, s5;
	[dreg:$0x0] =	wrdreg $0x0  }
0xa9: {  	s5 =	sshll.u32 s28, $0x1;
	[dreg:$0x2] =	wrdreg s4  }
0xaa: {  	[dreg:$0x3] =	wrdreg s5  }
0xab: {  	[dreg:$0x4] =	wrdreg $0xC0  }
0xac: {  	_ =	task [dreg:s8], $0x5FFFF  }
0xad: {  	[dreg:$0x1] =	wrdreg $0xFFFFFFFF  }
0xae: {  	[dreg:$0x0] =	wrdreg $0x60  }
0xaf: {  	[dreg:$0x2] =	wrdreg s2  }
0xb0: {  	[dreg:$0x3] =	wrdreg s19  }
0xb1: {  	[dreg:$0x4] =	wrdreg $0x2B000  }
0xb2: {  	[dreg:$0x5] =	wrdreg $0x9  }
0xb3: {  	_ =	task.clear_ibuf [dreg:s8], $0x6FFFF;
	_ =	strace $0x90000046  }
0xb4: {  	s29 =	simm.s32 $0x9;
	_ =	strace $0x80000048  }
0xb5: {  	_ =	swait.ge [sflag:s29], $0x1  }
0xb6: {  	[sflag:s29] =	ssyncadd.s32 $0xFFFFFFFF  }
0xb7: {  	_ =	strace $0x90000048  }
0xb8: {  	_ =	sfence  }
0xb9: {  	s30 =	sld [smem:$0x0];
	_ =	sdelay $0x2  }
0xba: {  	s31 =	sshll.u32 s1, $0xD;
	s1 =	sshrl.u32 s1, $0x2  }
0xbb: {  	s3 =	sand.u32 $0x4000, s31;
	s1 =	sadd.s32 s1, s30  }
0xbc: {  	s0 =	sor.u32 s3, s0;
	s1 =	sshll.u32 s1, $0x11  }
0xbd: {  	s0 =	sor.u32 s1, s0  }
0xbe: {  	s0 =	sadd.s32 $0x8F2B, s0  }
0xbf: {  	[sflag:s0] =	ssyncadd.remote.s32 $0x1  }
0xc0: {  	_ =	sfence.sel $0xFFFF  }
0xc1: {  	[dreg:$0x0] =	wrdreg $0xFFFFFFFF;
	(pc) =	sbr.abs _section_cstart, $3  }
0xc2: {  	[dreg:$0x1] =	wrdreg $0xFFFFFFFF  }
0xc3: {  	_ =	task.clear_ibuf [dreg:s8], $0x2FFFF;
	_ =	strace $0x9FFFFFFF  }
0xc4: {  	(tm) =	ssettm $0x7FFFFFFF  }
0xc5: {  	_ =	shalt  }
tec
execute0_lowered:
.L_overlay_start_1:
0x0: {  	(tag) =	ssettag $0x1  }
0x1: {  	s4 =	rddreg [dreg:$0x0]  }
0x2: {  	s0 =	srdreg.scid;
	s6 =	rddreg [dreg:$0x1]  }
0x3: {  	s2 =	rddreg [dreg:$0x2];
	s5 =	sand.u32 $0x1, s0  }
0x4: {  	s0 =	stileid.u32;
	s7 =	smul.u32 $0x28000, s5  }
0x5: {  	s1 =	rddreg [dreg:$0x3];
	s8 =	smul.u32 $0x2800, s0  }
0x6: {  	s3 =	simm.s32 $0x0;
	s14 =	simm.s32 $0x0;
	s9 =	smul.u32 $0x280, s0  }
0x7: {  	[smem:$0x7FF] =	sst s3;
	s10 =	smul.u32 $0x2800, s5;
	s5 =	ssub.s32 $0x2, s5  }
0x8: {  	_ =	strace $0x80000047;
	s12 =	sshll.u32 s0, $0x6;
	s11 =	sshrl.u32 s5, $0x1  }
0x9: {  	s12 =	sor.u32 $0x1C01, s12;
	s7 =	sadd.s32 s8, s7;
	s28 =	sadd.s32 s9, s10  }
0xa: {  	s29 =	ssub.s32 s5, s11;
	s5 =	sadd.s32 s9, s2;
	s8 =	simm.s32 $0x1  }
0xb: {  	s9 =	simm.s32 $0x2880;
	s10 =	simm.s32 $0x80;
	s11 =	simm.s32 $0x2800  }
0xc: {  	s30 =	sshrl.u32 s7, $0x3;
	s31 =	sshrl.u32 s28, $0x3;
	s7 =	smax.u32 s29, $0x1  }
0xd: {  	v0 =	vimm.f32 $1.000000000e+00;
	v1 =	vimm.f32 $0.0e+00;
	s13 =	sshrl.u32 s5, $0x3;
	s4 =	sadd.s32 s4, s30;
	s6 =	sadd.s32 s6, s31  }
.LBB2_1:
0xe: {  	[tilespmem:s3], [sflag:$0x1] =	stream.linear.gather [hbm4b:s4+s3], $0x2800, $0x38;
	[tilespmem:$0x2D80] =	vst v63  }
0xf: {  	_ =	swait.ge [sflag:s8], $0x2800  }
0x10: {  	[sflag:s8] =	ssyncset.done $0x0  }
0x11: {  	[sflag:s8] =	ssyncadd.s32 $0xFFFFD800  }
0x12: {  	[tilespmem:$0x2800] =	vst v0  }
0x13: {  	[tilespmem:$0x2810] =	vst v0  }
0x14: {  	[tilespmem:$0x2820] =	vst v0  }
0x15: {  	[tilespmem:$0x2830] =	vst v0  }
0x16: {  	[tilespmem:$0x2840] =	vst v0  }
0x17: {  	[tilespmem:$0x2850] =	vst v0  }
0x18: {  	[tilespmem:$0x2860] =	vst v0  }
0x19: {  	[tilespmem:$0x2870] =	vst v0  }
0x1a: {  	[tilespmem:$0x2880] =	vst v1  }
0x1b: {  	[tilespmem:$0x2890] =	vst v1  }
0x1c: {  	[tilespmem:$0x28A0] =	vst v1  }
0x1d: {  	[tilespmem:$0x28B0] =	vst v1  }
0x1e: {  	[tilespmem:$0x28C0] =	vst v1  }
0x1f: {  	[tilespmem:$0x28D0] =	vst v1  }
0x20: {  	[tilespmem:$0x28E0] =	vst v1  }
0x21: {  	[tilespmem:$0x28F0] =	vst v1  }
0x22: {  	[tilespmem:$0x2900] =	vst v1  }
0x23: {  	[tilespmem:$0x2910] =	vst v1  }
0x24: {  	[tilespmem:$0x2920] =	vst v1  }
0x25: {  	[tilespmem:$0x2930] =	vst v1  }
0x26: {  	[tilespmem:$0x2940] =	vst v1  }
0x27: {  	[tilespmem:$0x2950] =	vst v1  }
0x28: {  	[tilespmem:$0x2960] =	vst v1  }
0x29: {  	[tilespmem:$0x2970] =	vst v1  }
0x2a: {  	[tilespmem:$0x2980] =	vst v1  }
0x2b: {  	[tilespmem:$0x2990] =	vst v1  }
0x2c: {  	[tilespmem:$0x29A0] =	vst v1  }
0x2d: {  	[tilespmem:$0x29B0] =	vst v1  }
0x2e: {  	[tilespmem:$0x29C0] =	vst v1  }
0x2f: {  	[tilespmem:$0x29D0] =	vst v1  }
0x30: {  	[tilespmem:$0x29E0] =	vst v1  }
0x31: {  	[tilespmem:$0x29F0] =	vst v1  }
0x32: {  	[tilespmem:$0x2A00] =	vst v1  }
0x33: {  	[tilespmem:$0x2A10] =	vst v1  }
0x34: {  	[tilespmem:$0x2A20] =	vst v1  }
0x35: {  	[tilespmem:$0x2A30] =	vst v1  }
0x36: {  	[tilespmem:$0x2A40] =	vst v1  }
0x37: {  	[tilespmem:$0x2A50] =	vst v1  }
0x38: {  	[tilespmem:$0x2A60] =	vst v1  }
0x39: {  	[tilespmem:$0x2A70] =	vst v1  }
0x3a: {  	[tilespmem:$0x2A80] =	vst v1  }
0x3b: {  	[tilespmem:$0x2A90] =	vst v1  }
0x3c: {  	[tilespmem:$0x2AA0] =	vst v1  }
0x3d: {  	[tilespmem:$0x2AB0] =	vst v1  }
0x3e: {  	[tilespmem:$0x2AC0] =	vst v1  }
0x3f: {  	[tilespmem:$0x2AD0] =	vst v1  }
0x40: {  	[tilespmem:$0x2AE0] =	vst v1  }
0x41: {  	[tilespmem:$0x2AF0] =	vst v1  }
0x42: {  	[spmem:s5] =	stream.linear.scatter [tilespmem:s9], [sflag:$0x1], $0x280, $0x38;
	[tilespmem:$0x2D80] =	vst v63  }
0x43: {  	_ =	swait.ge [sflag:s8], $0x280  }
0x44: {  	[sflag:s8] =	ssyncset.done $0x0  }
0x45: {  	[sflag:s8] =	ssyncadd.s32 $0xFFFFFD80  }
0x46: {  	s15 =	simm.s32 $0x0;
	[bflag:$0x0] =	sbarrier.arrive $0xFFFF  }
0x47: {  	[spmem:s2] =	stream.indirect.scatter.add.f32 [tilespmem:s11], [sflag:$0x1], $0x1, s15, s10, $0xb8;
	[tilespmem:$0x2D80] =	vst v63  }
0x48: {  	_ =	swait.ge [sflag:s8], $0x80  }
0x49: {  	s15 =	simm.s32 $0x200;
	[sflag:s8] =	ssyncset.done $0x0  }
.LBB2_2:
0x4a: {  	s16 =	sshra.s32 s15, $0x2;
	[sflag:s8] =	ssyncadd.s32 $0xFFFFFF80;
	p0 =	sne.s32 s15, $0x9E00  }
0x4b: {  	[spmem:s2] =	stream.indirect.scatter.add.f32 [tilespmem:s11], [sflag:$0x1], $0x1, s16, s10, $0xb8;
	[tilespmem:$0x2D80] =	vst v63  }
.Ltmp0:
0x4c: {  	_ = 	snop;
	(pc) =	sbr.rel @p0 .LBB2_2-.Ltmp0, $4  }
0x4d: {  	_ = 	snop  }
0x4e: {  	s15 =	sadd.s32 $0x200, s15  }
0x4f: {  	_ =	swait.ge [sflag:s8], $0x80  }
0x50: {  	[sflag:s8] =	ssyncset.done $0x0  }
0x51: {  	s14 =	sadd.s32 $0x1, s14  }
0x52: {  	[sflag:s8] =	ssyncadd.s32 $0xFFFFFF80;
	p0 =	sne.s32 s14, s7  }
.Ltmp1:
0x53: {  	[bflag:$0x0] =	sbarrier.arrive $0xFFFF;
	(pc) =	sbr.rel @p0 .LBB2_1-.Ltmp1, $4  }
0x54: {  	[hbm:s6], [sflag:s12] =	dma.local [spmem:s13], $0x50  }
0x55: {  	_ =	swait.ge [sflag:s8], $0x50  }
0x56: {  	[sflag:s8] =	ssyncset.done $0x0  }
0x57: {  	[sflag:s8] =	ssyncadd.s32 $0xFFFFFFB0  }
0x58: {  	_ =	sfence.sel $0x180000  }
0x59: {  	[bflag:$0x0] =	sbarrier.arrive $0xFFFF  }
0x5a: {  	p0 =	sne.s32 s0, $0x0;
	_ =	strace $0x90000047  }
0x5b: {  	s0 =	sadd.s32 @!p0 $0x100000, s1;
	[bflag:$0x2] =	sbarrier.arrive $0xFFFF  }
0x5c: {  	[sflag:s0] =	ssyncadd.tile.s32 @!p0 $0x1;
	_ =	shalt  }
.Lfunc_end2:
_tile_overlayer_lowered:
.L_overlay_start_2:
0x5d: {  	(tag) =	ssettag $0x2  }
0x5e: {  	s0 =	rddreg [dreg:$0x0];
	s2 =	stileid.u32  }
0x5f: {  	s1 =	rddreg [dreg:$0x1];
	p0 =	sne.s32 s2, $0x0  }
0x60: {  	s3 =	rddreg [dreg:$0x2];
	[bflag:$0x3] =	sbarrier.arrive $0xFFFF;
	s2 =	simm.s32 @!p0 $0x1C01  }
0x61: {  	[timem:s3], [sflag:s2] =	dma.local @!p0 [hbm:s0], s1  }
0x62: {  	s0 =	simm.s32 @!p0 $0x1  }
0x63: {  	_ =	swait.ge @!p0 [sflag:s0], s1  }
0x64: {  	s1 =	ssub.s32 @!p0 $0x0, s1;
	[sflag:s0] =	ssyncset.done @!p0 $0x0  }
0x65: {  	[sflag:s0] =	ssyncadd.s32 @!p0 s1  }
0x66: {  	[bflag:$0x3] =	sbarrier.arrive $0xFFFF  }
0x67: {  	_ =	shalt  }

</sc_bundles>
